<compile_context>
chip_gen: v7x
topology: tpu7x:2x2x1
jax: 0.10.2.dev20260603
libtpu: 0.0.44.dev20260713+nightly
codegen_flags: <defaults>
</compile_context>

<pallas_src>
import functools

import jax
import jax.numpy as jnp
from jax import lax
from jax.experimental import pallas as pl
from jax.experimental.pallas import tpu as pltpu
from jax.experimental.pallas import tpu_sc as plsc

DIM = 128
EPS = 1e-07

_NC = 2
_NS = 16
_NW = _NC * _NS
_CHUNK = 128


def _sc_gather(ids_flat, word_table):
    n_tok = ids_flat.shape[0]
    assert n_tok % (_NW * _CHUNK) == 0
    per_w = n_tok // _NW
    n_chunks = per_w // _CHUNK
    nb = 5
    assert n_chunks % nb == 0
    n_super = n_chunks // nb

    mesh = plsc.VectorSubcoreMesh(core_axis_name="c", subcore_axis_name="s")

    @functools.partial(
        pl.kernel,
        out_type=jax.ShapeDtypeStruct((n_tok, DIM), jnp.float32),
        mesh=mesh,
        scratch_types=(
            [pltpu.VMEM((per_w,), jnp.int32)]
            + [pltpu.VMEM((_CHUNK, DIM), jnp.float32)] * nb
            + [pltpu.SemaphoreType.DMA] * (2 * nb)
        ),
    )
    def gather_kernel(ids_hbm, table_hbm, out_hbm, ids_v, *rest):
        bufs = rest[:nb]
        gsem = rest[nb:2 * nb]
        osem = rest[2 * nb:]
        wid = lax.axis_index("s") * _NC + lax.axis_index("c")
        base = wid * per_w

        pltpu.sync_copy(ids_hbm.at[pl.ds(base, per_w)], ids_v)

        def start_gather(c, bi):
            pltpu.async_copy(
                table_hbm.at[ids_v.at[pl.ds(c * _CHUNK, _CHUNK)]],
                bufs[bi], gsem[bi])

        def wait_gather(bi):
            pltpu.make_async_copy(
                out_hbm.at[pl.ds(0, _CHUNK)], bufs[bi], gsem[bi]).wait()

        def start_out(c, bi):
            pltpu.async_copy(
                bufs[bi], out_hbm.at[pl.ds(base + c * _CHUNK, _CHUNK)],
                osem[bi])

        def wait_out(bi):
            pltpu.make_async_copy(
                bufs[bi], out_hbm.at[pl.ds(0, _CHUNK)], osem[bi]).wait()

        start_gather(0, 0)
        start_gather(1, 1)
        start_gather(2, 2)

        def super_body(sp, carry):
            for b in range(nb):
                c = sp * nb + b
                tb = (b + 3) % nb
                wait_gather(b)
                start_out(c, b)

                @pl.when(c + 3 < n_chunks)
                def _issue(tb=tb, c=c):
                    @pl.when(c >= 2)
                    def _drain():
                        wait_out(tb)
                    start_gather(c + 3, tb)
            return carry

        lax.fori_loop(0, n_super, super_body, 0)

        for b in range(nb):
            wait_out(b)

    return gather_kernel(ids_flat, word_table)


def _tc_body(g_ref, tt_ref, pos_ref, ty_ref, gb_ref, emb_ref):
    x = g_ref[...]
    pos = pos_ref[...]
    ty = ty_ref[...]
    gb = gb_ref[...]
    ttf = tt_ref[...]

    x = x + pos[None]
    t0 = ty[0][None, None, :]
    dt = (ty[1] - ty[0])[None, None, :]
    x = x + t0 + ttf[:, :, None] * dt

    mu = jnp.mean(x, axis=-1, keepdims=True)
    xc = x - mu
    var = jnp.mean(xc * xc, axis=-1, keepdims=True)
    y = xc * lax.rsqrt(var + EPS)
    y = y * gb[0][None, None, :] + gb[1][None, None, :]

    emb_ref[...] = y


def _tc_pos_body(pos_ref, out_ref):
    out_ref[...] = jnp.broadcast_to(pos_ref[...][None], out_ref.shape)


def kernel(input_ids, token_type_ids, word_table, pos_table, type_table, gamma, beta):
    b, s = input_ids.shape
    ids_flat = input_ids.reshape(-1).astype(jnp.int32)
    gathered = _sc_gather(ids_flat, word_table).reshape(b, s, DIM)

    ttf = token_type_ids.astype(jnp.float32)
    pos_s = pos_table[:s]
    gb = jnp.stack([gamma, beta])

    br = 32
    grid = (b // br,)
    emb = pl.pallas_call(
        _tc_body,
        grid=grid,
        in_specs=[
            pl.BlockSpec((br, s, DIM), lambda i: (i, 0, 0)),
            pl.BlockSpec((br, s), lambda i: (i, 0)),
            pl.BlockSpec((s, DIM), lambda i: (0, 0)),
            pl.BlockSpec((2, DIM), lambda i: (0, 0)),
            pl.BlockSpec((2, DIM), lambda i: (0, 0)),
        ],
        out_specs=pl.BlockSpec((br, s, DIM), lambda i: (i, 0, 0)),
        out_shape=jax.ShapeDtypeStruct((b, s, DIM), jnp.float32),
    )(gathered, ttf, pos_s, type_table, gb)

    pos_out = pl.pallas_call(
        _tc_pos_body,
        grid=grid,
        in_specs=[pl.BlockSpec((s, DIM), lambda i: (0, 0))],
        out_specs=pl.BlockSpec((br, s, DIM), lambda i: (i, 0, 0)),
        out_shape=jax.ShapeDtypeStruct((b, s, DIM), jnp.float32),
    )(pos_s)

    return emb, pos_out

# --- scband reference (transcript-rebuilt; emitter-appended) ---
"""Pipeline reference for scband-bert-embeddings-609885357028 (READ-ONLY COPY).

The authoritative reference and input builder live on the scoring server;
editing this copy changes nothing except your own understanding.
"""

import jax, jax.numpy as jnp
import numpy as np

VOCAB = 100000
MAX_POS = 512
TYPE_VOCAB = 2
DIM = 128
B, S = 1024, 200
EPS = 1e-07


def layer_norm(x, gamma, beta, eps=EPS):
    mu = jnp.mean(x, axis=-1, keepdims=True)
    var = jnp.mean(jnp.square(x - mu), axis=-1, keepdims=True)
    return (x - mu) / jnp.sqrt(var + eps) * gamma + beta


def setup_inputs(seed: int = 0) -> dict:
    key = jax.random.key(seed)
    k1, k2, k3, k4, k5 = jax.random.split(key, 5)
    input_ids = jax.random.randint(k1, (B, S), 0, VOCAB, dtype=jnp.int64) if jax.config.jax_enable_x64 else jax.random.randint(k1, (B, S), 0, VOCAB, dtype=jnp.int32)
    token_type_ids = jax.random.randint(k2, (B, S), 0, TYPE_VOCAB, dtype=input_ids.dtype)
    word_table = jax.random.normal(k3, (VOCAB, DIM), dtype=jnp.float32) * 0.02
    word_table = word_table.at[0].set(0.0)  # padding_idx=0
    pos_table = jax.random.normal(k4, (MAX_POS, DIM), dtype=jnp.float32) * 0.02
    type_table = jax.random.normal(k5, (TYPE_VOCAB, DIM), dtype=jnp.float32) * 0.02
    gamma = jnp.ones((DIM,), dtype=jnp.float32)
    beta = jnp.zeros((DIM,), dtype=jnp.float32)
    return {"input_ids": input_ids, "token_type_ids": token_type_ids,
            "word_table": word_table, "pos_table": pos_table,
            "type_table": type_table, "gamma": gamma, "beta": beta}


def reference(input_ids, token_type_ids, word_table, pos_table, type_table, gamma, beta):
    seq_length = input_ids.shape[1]
    position_ids = jnp.arange(seq_length, dtype=input_ids.dtype)[None, :]
    position_ids = jnp.broadcast_to(position_ids, input_ids.shape)
    words_embeddings = jnp.take(word_table, input_ids, axis=0)
    position_embeddings = jnp.take(pos_table, position_ids, axis=0)
    token_type_embeddings = jnp.take(type_table, token_type_ids, axis=0)
    embeddings = words_embeddings + token_type_embeddings  # type_vocab_size > 0
    embeddings = embeddings + position_embeddings          # position_biased_input
    # embedding_size == hidden_size -> no embed_proj
    embeddings = layer_norm(embeddings, gamma, beta)       # MaskedLayerNorm, mask=None
    # dropout is identity in eval / reference mode
    return embeddings, position_embeddings

if __name__ == "__main__":
    import jax
    _d = setup_inputs()
    print(jax.jit(kernel)(*tuple(_d.values())))

</pallas_src>

<mosaic_0001>
#map = affine_map<(d0, d1) -> (0)>
#map1 = affine_map<(d0, d1) -> (0, 0)>
module attributes {stable_mosaic.version = 14 : i64} {
  func.func @gather_kernel(%arg0: i32, %arg1: i32, %arg2: memref<204800xi32, #tpu.memory_space<hbm>>, %arg3: memref<100000x128xf32, #tpu.memory_space<hbm>>, %arg4: memref<204800x128xf32, #tpu.memory_space<hbm>>, %arg5: memref<6400xi32, #tpu.memory_space<vmem>>, %arg6: memref<128x128xf32, #tpu.memory_space<vmem>>, %arg7: memref<128x128xf32, #tpu.memory_space<vmem>>, %arg8: memref<128x128xf32, #tpu.memory_space<vmem>>, %arg9: memref<128x128xf32, #tpu.memory_space<vmem>>, %arg10: memref<128x128xf32, #tpu.memory_space<vmem>>, %arg11: memref<!tpu.dma_semaphore, #tpu.memory_space<semaphore_mem>>, %arg12: memref<!tpu.dma_semaphore, #tpu.memory_space<semaphore_mem>>, %arg13: memref<!tpu.dma_semaphore, #tpu.memory_space<semaphore_mem>>, %arg14: memref<!tpu.dma_semaphore, #tpu.memory_space<semaphore_mem>>, %arg15: memref<!tpu.dma_semaphore, #tpu.memory_space<semaphore_mem>>, %arg16: memref<!tpu.dma_semaphore, #tpu.memory_space<semaphore_mem>>, %arg17: memref<!tpu.dma_semaphore, #tpu.memory_space<semaphore_mem>>, %arg18: memref<!tpu.dma_semaphore, #tpu.memory_space<semaphore_mem>>, %arg19: memref<!tpu.dma_semaphore, #tpu.memory_space<semaphore_mem>>, %arg20: memref<!tpu.dma_semaphore, #tpu.memory_space<semaphore_mem>>) attributes {dimension_semantics = [#tpu.dimension_semantics<core_parallel>, #tpu.dimension_semantics<subcore_parallel>], iteration_bounds = array<i64: 2, 16>, scalar_prefetch = 0 : i64, scratch_operands = 16 : i64, tpu.core_type = #tpu.core_type<sc_vector_subcore>, window_params = [{transform_indices = #map}, {transform_indices = #map1}, {transform_indices = #map1}]} {
    %mul3A = arith.constant 2 : i32
    %mul3A_0 = arith.muli %arg1, %mul3A : i32
    %add3A = arith.addi %mul3A_0, %arg0 : i32
    %mul3A_1 = arith.constant 6400 : i32
    %mul3A_2 = arith.muli %add3A, %mul3A_1 : i32
    "tpu.region"() ({
      %run_scoped3A = tpu.sem_alloc : memref<!tpu.dma_semaphore, #tpu.memory_space<semaphore_mem>>
      %dma_start3A_51 = tpu.memref_slice %arg2[%mul3A_2] : memref<204800xi32, #tpu.memory_space<hbm>> -> memref<6400xi32, #tpu.memory_space<hbm>>
      %dma_start3A_52 = tpu.memref_slice %arg2[%mul3A_2] : memref<204800xi32, #tpu.memory_space<hbm>> -> memref<6400xi32, #tpu.memory_space<hbm>>
      tpu.enqueue_dma source(%dma_start3A_52 : memref<6400xi32, #tpu.memory_space<hbm>>) target(%arg5 : memref<6400xi32, #tpu.memory_space<vmem>>) target_semaphore(%run_scoped3A : memref<!tpu.dma_semaphore, #tpu.memory_space<semaphore_mem>>)
      %dma_wait3A_53 = tpu.memref_slice %arg2[%mul3A_2] : memref<204800xi32, #tpu.memory_space<hbm>> -> memref<6400xi32, #tpu.memory_space<hbm>>
      %dma_wait3A_54 = tpu.memref_slice %arg2[%mul3A_2] : memref<204800xi32, #tpu.memory_space<hbm>> -> memref<6400xi32, #tpu.memory_space<hbm>>
      tpu.wait_dma2 semaphore(%run_scoped3A : memref<!tpu.dma_semaphore, #tpu.memory_space<semaphore_mem>>) src(%dma_wait3A_54 : memref<6400xi32, #tpu.memory_space<hbm>>) dst(%arg5 : memref<6400xi32, #tpu.memory_space<vmem>>)
      tpu.yield
    }) : () -> ()
    %dma_start3A = arith.constant 0 : i32
    %dma_start3A_3 = tpu.memref_slice %arg5[%dma_start3A] : memref<6400xi32, #tpu.memory_space<vmem>> -> memref<128xi32, #tpu.memory_space<vmem>>
    %dma_start3A_4 = arith.constant 0 : i32
    %dma_start3A_5 = arith.constant 0 : i32
    %dma_start3A_6 = tpu.memref_slice %arg3[%dma_start3A_4, %dma_start3A_5] : memref<100000x128xf32, #tpu.memory_space<hbm>> -> memref<100000x128xf32, #tpu.memory_space<hbm>>
    tpu.enqueue_indirect_dma source(%dma_start3A_6 : memref<100000x128xf32, #tpu.memory_space<hbm>>) target(%arg6 : memref<128x128xf32, #tpu.memory_space<vmem>>) offsets(%dma_start3A_3 : memref<128xi32, #tpu.memory_space<vmem>>) semaphore(%arg11 : memref<!tpu.dma_semaphore, #tpu.memory_space<semaphore_mem>>)
    %dma_start3A_7 = arith.constant 128 : i32
    %dma_start3A_8 = tpu.memref_slice %arg5[%dma_start3A_7] : memref<6400xi32, #tpu.memory_space<vmem>> -> memref<128xi32, #tpu.memory_space<vmem>>
    %dma_start3A_9 = arith.constant 0 : i32
    %dma_start3A_10 = arith.constant 0 : i32
    %dma_start3A_11 = tpu.memref_slice %arg3[%dma_start3A_9, %dma_start3A_10] : memref<100000x128xf32, #tpu.memory_space<hbm>> -> memref<100000x128xf32, #tpu.memory_space<hbm>>
    tpu.enqueue_indirect_dma source(%dma_start3A_11 : memref<100000x128xf32, #tpu.memory_space<hbm>>) target(%arg7 : memref<128x128xf32, #tpu.memory_space<vmem>>) offsets(%dma_start3A_8 : memref<128xi32, #tpu.memory_space<vmem>>) semaphore(%arg12 : memref<!tpu.dma_semaphore, #tpu.memory_space<semaphore_mem>>)
    %dma_start3A_12 = arith.constant 256 : i32
    %dma_start3A_13 = tpu.memref_slice %arg5[%dma_start3A_12] : memref<6400xi32, #tpu.memory_space<vmem>> -> memref<128xi32, #tpu.memory_space<vmem>>
    %dma_start3A_14 = arith.constant 0 : i32
    %dma_start3A_15 = arith.constant 0 : i32
    %dma_start3A_16 = tpu.memref_slice %arg3[%dma_start3A_14, %dma_start3A_15] : memref<100000x128xf32, #tpu.memory_space<hbm>> -> memref<100000x128xf32, #tpu.memory_space<hbm>>
    tpu.enqueue_indirect_dma source(%dma_start3A_16 : memref<100000x128xf32, #tpu.memory_space<hbm>>) target(%arg8 : memref<128x128xf32, #tpu.memory_space<vmem>>) offsets(%dma_start3A_13 : memref<128xi32, #tpu.memory_space<vmem>>) semaphore(%arg13 : memref<!tpu.dma_semaphore, #tpu.memory_space<semaphore_mem>>)
    %scan3A = arith.constant 0 : i32
    %scan3A_17 = arith.constant 0 : i32
    %scan3A_18 = arith.constant 10 : i32
    %scan3A_19 = arith.addi %scan3A_17, %scan3A_18 : i32
    %scan3A_20 = arith.constant 1 : i32
    scf.for %scan3A_51 = %scan3A_17 to %scan3A_19 step %scan3A_20  : i32 {
      %mul3A_52 = arith.constant 5 : i32
      %mul3A_53 = arith.muli %scan3A_51, %mul3A_52 : i32
      %add3A_54 = arith.constant 0 : i32
      %add3A_55 = arith.addi %mul3A_53, %add3A_54 : i32
      %dma_wait3A_56 = arith.constant 0 : i32
      %dma_wait3A_57 = arith.constant 0 : i32
      %dma_wait3A_58 = tpu.memref_slice %arg4[%dma_wait3A_56, %dma_wait3A_57] : memref<204800x128xf32, #tpu.memory_space<hbm>> -> memref<128x128xf32, #tpu.memory_space<hbm>>
      %dma_wait3A_59 = arith.constant 0 : i32
      %dma_wait3A_60 = arith.constant 0 : i32
      %dma_wait3A_61 = tpu.memref_slice %arg4[%dma_wait3A_59, %dma_wait3A_60] : memref<204800x128xf32, #tpu.memory_space<hbm>> -> memref<128x128xf32, #tpu.memory_space<hbm>>
      tpu.wait_dma2 semaphore(%arg11 : memref<!tpu.dma_semaphore, #tpu.memory_space<semaphore_mem>>) src(%dma_wait3A_61 : memref<128x128xf32, #tpu.memory_space<hbm>>) dst(%arg6 : memref<128x128xf32, #tpu.memory_space<vmem>>)
      %mul3A_62 = arith.constant 128 : i32
      %mul3A_63 = arith.muli %add3A_55, %mul3A_62 : i32
      %add3A_64 = arith.addi %mul3A_2, %mul3A_63 : i32
      %dma_start3A_65 = arith.constant 0 : i32
      %dma_start3A_66 = tpu.memref_slice %arg4[%add3A_64, %dma_start3A_65] : memref<204800x128xf32, #tpu.memory_space<hbm>> -> memref<128x128xf32, #tpu.memory_space<hbm>>
      %dma_start3A_67 = arith.constant 0 : i32
      %dma_start3A_68 = tpu.memref_slice %arg4[%add3A_64, %dma_start3A_67] : memref<204800x128xf32, #tpu.memory_space<hbm>> -> memref<128x128xf32, #tpu.memory_space<hbm>>
      tpu.enqueue_dma source(%arg6 : memref<128x128xf32, #tpu.memory_space<vmem>>) target(%dma_start3A_68 : memref<128x128xf32, #tpu.memory_space<hbm>>) target_semaphore(%arg16 : memref<!tpu.dma_semaphore, #tpu.memory_space<semaphore_mem>>)
      %add3A_69 = arith.constant 3 : i32
      %add3A_70 = arith.addi %add3A_55, %add3A_69 : i32
      %lt3A = arith.constant 50 : i32
      %lt3A_71 = arith.cmpi slt, %add3A_70, %lt3A : i32
      %convert_element_type3A = arith.extui %lt3A_71 : i1 to i32
      %cond3A = arith.constant 0 : i32
      %cond3A_72 = arith.cmpi ne, %convert_element_type3A, %cond3A : i32
      scf.if %cond3A_72 {
        %ge3A = arith.constant 2 : i32
        %ge3A_169 = arith.cmpi sge, %add3A_55, %ge3A : i32
        %convert_element_type3A_170 = arith.extui %ge3A_169 : i1 to i32
        %cond3A_171 = arith.constant 0 : i32
        %cond3A_172 = arith.cmpi ne, %convert_element_type3A_170, %cond3A_171 : i32
        scf.if %cond3A_172 {
          %dma_wait3A_181 = arith.constant 0 : i32
          %dma_wait3A_182 = arith.constant 0 : i32
          %dma_wait3A_183 = tpu.memref_slice %arg4[%dma_wait3A_181, %dma_wait3A_182] : memref<204800x128xf32, #tpu.memory_space<hbm>> -> memref<128x128xf32, #tpu.memory_space<hbm>>
          %dma_wait3A_184 = arith.constant 0 : i32
          %dma_wait3A_185 = arith.constant 0 : i32
          %dma_wait3A_186 = tpu.memref_slice %arg4[%dma_wait3A_184, %dma_wait3A_185] : memref<204800x128xf32, #tpu.memory_space<hbm>> -> memref<128x128xf32, #tpu.memory_space<hbm>>
          tpu.wait_dma2 semaphore(%arg19 : memref<!tpu.dma_semaphore, #tpu.memory_space<semaphore_mem>>) src(%arg9 : memref<128x128xf32, #tpu.memory_space<vmem>>) dst(%dma_wait3A_186 : memref<128x128xf32, #tpu.memory_space<hbm>>)
        } else {
        }
        %add3A_173 = arith.constant 3 : i32
        %add3A_174 = arith.addi %add3A_55, %add3A_173 : i32
        %mul3A_175 = arith.constant 128 : i32
        %mul3A_176 = arith.muli %add3A_174, %mul3A_175 : i32
        %dma_start3A_177 = tpu.memref_slice %arg5[%mul3A_176] : memref<6400xi32, #tpu.memory_space<vmem>> -> memref<128xi32, #tpu.memory_space<vmem>>
        %dma_start3A_178 = arith.constant 0 : i32
        %dma_start3A_179 = arith.constant 0 : i32
        %dma_start3A_180 = tpu.memref_slice %arg3[%dma_start3A_178, %dma_start3A_179] : memref<100000x128xf32, #tpu.memory_space<hbm>> -> memref<100000x128xf32, #tpu.memory_space<hbm>>
        tpu.enqueue_indirect_dma source(%dma_start3A_180 : memref<100000x128xf32, #tpu.memory_space<hbm>>) target(%arg9 : memref<128x128xf32, #tpu.memory_space<vmem>>) offsets(%dma_start3A_177 : memref<128xi32, #tpu.memory_space<vmem>>) semaphore(%arg14 : memref<!tpu.dma_semaphore, #tpu.memory_space<semaphore_mem>>)
      } else {
      }
      %mul3A_73 = arith.constant 5 : i32
      %mul3A_74 = arith.muli %scan3A_51, %mul3A_73 : i32
      %add3A_75 = arith.constant 1 : i32
      %add3A_76 = arith.addi %mul3A_74, %add3A_75 : i32
      %dma_wait3A_77 = arith.constant 0 : i32
      %dma_wait3A_78 = arith.constant 0 : i32
      %dma_wait3A_79 = tpu.memref_slice %arg4[%dma_wait3A_77, %dma_wait3A_78] : memref<204800x128xf32, #tpu.memory_space<hbm>> -> memref<128x128xf32, #tpu.memory_space<hbm>>
      %dma_wait3A_80 = arith.constant 0 : i32
      %dma_wait3A_81 = arith.constant 0 : i32
      %dma_wait3A_82 = tpu.memref_slice %arg4[%dma_wait3A_80, %dma_wait3A_81] : memref<204800x128xf32, #tpu.memory_space<hbm>> -> memref<128x128xf32, #tpu.memory_space<hbm>>
      tpu.wait_dma2 semaphore(%arg12 : memref<!tpu.dma_semaphore, #tpu.memory_space<semaphore_mem>>) src(%dma_wait3A_82 : memref<128x128xf32, #tpu.memory_space<hbm>>) dst(%arg7 : memref<128x128xf32, #tpu.memory_space<vmem>>)
      %mul3A_83 = arith.constant 128 : i32
      %mul3A_84 = arith.muli %add3A_76, %mul3A_83 : i32
      %add3A_85 = arith.addi %mul3A_2, %mul3A_84 : i32
      %dma_start3A_86 = arith.constant 0 : i32
      %dma_start3A_87 = tpu.memref_slice %arg4[%add3A_85, %dma_start3A_86] : memref<204800x128xf32, #tpu.memory_space<hbm>> -> memref<128x128xf32, #tpu.memory_space<hbm>>
      %dma_start3A_88 = arith.constant 0 : i32
      %dma_start3A_89 = tpu.memref_slice %arg4[%add3A_85, %dma_start3A_88] : memref<204800x128xf32, #tpu.memory_space<hbm>> -> memref<128x128xf32, #tpu.memory_space<hbm>>
      tpu.enqueue_dma source(%arg7 : memref<128x128xf32, #tpu.memory_space<vmem>>) target(%dma_start3A_89 : memref<128x128xf32, #tpu.memory_space<hbm>>) target_semaphore(%arg17 : memref<!tpu.dma_semaphore, #tpu.memory_space<semaphore_mem>>)
      %add3A_90 = arith.constant 3 : i32
      %add3A_91 = arith.addi %add3A_76, %add3A_90 : i32
      %lt3A_92 = arith.constant 50 : i32
      %lt3A_93 = arith.cmpi slt, %add3A_91, %lt3A_92 : i32
      %convert_element_type3A_94 = arith.extui %lt3A_93 : i1 to i32
      %cond3A_95 = arith.constant 0 : i32
      %cond3A_96 = arith.cmpi ne, %convert_element_type3A_94, %cond3A_95 : i32
      scf.if %cond3A_96 {
        %ge3A = arith.constant 2 : i32
        %ge3A_169 = arith.cmpi sge, %add3A_76, %ge3A : i32
        %convert_element_type3A_170 = arith.extui %ge3A_169 : i1 to i32
        %cond3A_171 = arith.constant 0 : i32
        %cond3A_172 = arith.cmpi ne, %convert_element_type3A_170, %cond3A_171 : i32
        scf.if %cond3A_172 {
          %dma_wait3A_181 = arith.constant 0 : i32
          %dma_wait3A_182 = arith.constant 0 : i32
          %dma_wait3A_183 = tpu.memref_slice %arg4[%dma_wait3A_181, %dma_wait3A_182] : memref<204800x128xf32, #tpu.memory_space<hbm>> -> memref<128x128xf32, #tpu.memory_space<hbm>>
          %dma_wait3A_184 = arith.constant 0 : i32
          %dma_wait3A_185 = arith.constant 0 : i32
          %dma_wait3A_186 = tpu.memref_slice %arg4[%dma_wait3A_184, %dma_wait3A_185] : memref<204800x128xf32, #tpu.memory_space<hbm>> -> memref<128x128xf32, #tpu.memory_space<hbm>>
          tpu.wait_dma2 semaphore(%arg20 : memref<!tpu.dma_semaphore, #tpu.memory_space<semaphore_mem>>) src(%arg10 : memref<128x128xf32, #tpu.memory_space<vmem>>) dst(%dma_wait3A_186 : memref<128x128xf32, #tpu.memory_space<hbm>>)
        } else {
        }
        %add3A_173 = arith.constant 3 : i32
        %add3A_174 = arith.addi %add3A_76, %add3A_173 : i32
        %mul3A_175 = arith.constant 128 : i32
        %mul3A_176 = arith.muli %add3A_174, %mul3A_175 : i32
        %dma_start3A_177 = tpu.memref_slice %arg5[%mul3A_176] : memref<6400xi32, #tpu.memory_space<vmem>> -> memref<128xi32, #tpu.memory_space<vmem>>
        %dma_start3A_178 = arith.constant 0 : i32
        %dma_start3A_179 = arith.constant 0 : i32
        %dma_start3A_180 = tpu.memref_slice %arg3[%dma_start3A_178, %dma_start3A_179] : memref<100000x128xf32, #tpu.memory_space<hbm>> -> memref<100000x128xf32, #tpu.memory_space<hbm>>
        tpu.enqueue_indirect_dma source(%dma_start3A_180 : memref<100000x128xf32, #tpu.memory_space<hbm>>) target(%arg10 : memref<128x128xf32, #tpu.memory_space<vmem>>) offsets(%dma_start3A_177 : memref<128xi32, #tpu.memory_space<vmem>>) semaphore(%arg15 : memref<!tpu.dma_semaphore, #tpu.memory_space<semaphore_mem>>)
      } else {
      }
      %mul3A_97 = arith.constant 5 : i32
      %mul3A_98 = arith.muli %scan3A_51, %mul3A_97 : i32
      %add3A_99 = arith.constant 2 : i32
      %add3A_100 = arith.addi %mul3A_98, %add3A_99 : i32
      %dma_wait3A_101 = arith.constant 0 : i32
      %dma_wait3A_102 = arith.constant 0 : i32
      %dma_wait3A_103 = tpu.memref_slice %arg4[%dma_wait3A_101, %dma_wait3A_102] : memref<204800x128xf32, #tpu.memory_space<hbm>> -> memref<128x128xf32, #tpu.memory_space<hbm>>
      %dma_wait3A_104 = arith.constant 0 : i32
      %dma_wait3A_105 = arith.constant 0 : i32
      %dma_wait3A_106 = tpu.memref_slice %arg4[%dma_wait3A_104, %dma_wait3A_105] : memref<204800x128xf32, #tpu.memory_space<hbm>> -> memref<128x128xf32, #tpu.memory_space<hbm>>
      tpu.wait_dma2 semaphore(%arg13 : memref<!tpu.dma_semaphore, #tpu.memory_space<semaphore_mem>>) src(%dma_wait3A_106 : memref<128x128xf32, #tpu.memory_space<hbm>>) dst(%arg8 : memref<128x128xf32, #tpu.memory_space<vmem>>)
      %mul3A_107 = arith.constant 128 : i32
      %mul3A_108 = arith.muli %add3A_100, %mul3A_107 : i32
      %add3A_109 = arith.addi %mul3A_2, %mul3A_108 : i32
      %dma_start3A_110 = arith.constant 0 : i32
      %dma_start3A_111 = tpu.memref_slice %arg4[%add3A_109, %dma_start3A_110] : memref<204800x128xf32, #tpu.memory_space<hbm>> -> memref<128x128xf32, #tpu.memory_space<hbm>>
      %dma_start3A_112 = arith.constant 0 : i32
      %dma_start3A_113 = tpu.memref_slice %arg4[%add3A_109, %dma_start3A_112] : memref<204800x128xf32, #tpu.memory_space<hbm>> -> memref<128x128xf32, #tpu.memory_space<hbm>>
      tpu.enqueue_dma source(%arg8 : memref<128x128xf32, #tpu.memory_space<vmem>>) target(%dma_start3A_113 : memref<128x128xf32, #tpu.memory_space<hbm>>) target_semaphore(%arg18 : memref<!tpu.dma_semaphore, #tpu.memory_space<semaphore_mem>>)
      %add3A_114 = arith.constant 3 : i32
      %add3A_115 = arith.addi %add3A_100, %add3A_114 : i32
      %lt3A_116 = arith.constant 50 : i32
      %lt3A_117 = arith.cmpi slt, %add3A_115, %lt3A_116 : i32
      %convert_element_type3A_118 = arith.extui %lt3A_117 : i1 to i32
      %cond3A_119 = arith.constant 0 : i32
      %cond3A_120 = arith.cmpi ne, %convert_element_type3A_118, %cond3A_119 : i32
      scf.if %cond3A_120 {
        %ge3A = arith.constant 2 : i32
        %ge3A_169 = arith.cmpi sge, %add3A_100, %ge3A : i32
        %convert_element_type3A_170 = arith.extui %ge3A_169 : i1 to i32
        %cond3A_171 = arith.constant 0 : i32
        %cond3A_172 = arith.cmpi ne, %convert_element_type3A_170, %cond3A_171 : i32
        scf.if %cond3A_172 {
          %dma_wait3A_181 = arith.constant 0 : i32
          %dma_wait3A_182 = arith.constant 0 : i32
          %dma_wait3A_183 = tpu.memref_slice %arg4[%dma_wait3A_181, %dma_wait3A_182] : memref<204800x128xf32, #tpu.memory_space<hbm>> -> memref<128x128xf32, #tpu.memory_space<hbm>>
          %dma_wait3A_184 = arith.constant 0 : i32
          %dma_wait3A_185 = arith.constant 0 : i32
          %dma_wait3A_186 = tpu.memref_slice %arg4[%dma_wait3A_184, %dma_wait3A_185] : memref<204800x128xf32, #tpu.memory_space<hbm>> -> memref<128x128xf32, #tpu.memory_space<hbm>>
          tpu.wait_dma2 semaphore(%arg16 : memref<!tpu.dma_semaphore, #tpu.memory_space<semaphore_mem>>) src(%arg6 : memref<128x128xf32, #tpu.memory_space<vmem>>) dst(%dma_wait3A_186 : memref<128x128xf32, #tpu.memory_space<hbm>>)
        } else {
        }
        %add3A_173 = arith.constant 3 : i32
        %add3A_174 = arith.addi %add3A_100, %add3A_173 : i32
        %mul3A_175 = arith.constant 128 : i32
        %mul3A_176 = arith.muli %add3A_174, %mul3A_175 : i32
        %dma_start3A_177 = tpu.memref_slice %arg5[%mul3A_176] : memref<6400xi32, #tpu.memory_space<vmem>> -> memref<128xi32, #tpu.memory_space<vmem>>
        %dma_start3A_178 = arith.constant 0 : i32
        %dma_start3A_179 = arith.constant 0 : i32
        %dma_start3A_180 = tpu.memref_slice %arg3[%dma_start3A_178, %dma_start3A_179] : memref<100000x128xf32, #tpu.memory_space<hbm>> -> memref<100000x128xf32, #tpu.memory_space<hbm>>
        tpu.enqueue_indirect_dma source(%dma_start3A_180 : memref<100000x128xf32, #tpu.memory_space<hbm>>) target(%arg6 : memref<128x128xf32, #tpu.memory_space<vmem>>) offsets(%dma_start3A_177 : memref<128xi32, #tpu.memory_space<vmem>>) semaphore(%arg11 : memref<!tpu.dma_semaphore, #tpu.memory_space<semaphore_mem>>)
      } else {
      }
      %mul3A_121 = arith.constant 5 : i32
      %mul3A_122 = arith.muli %scan3A_51, %mul3A_121 : i32
      %add3A_123 = arith.constant 3 : i32
      %add3A_124 = arith.addi %mul3A_122, %add3A_123 : i32
      %dma_wait3A_125 = arith.constant 0 : i32
      %dma_wait3A_126 = arith.constant 0 : i32
      %dma_wait3A_127 = tpu.memref_slice %arg4[%dma_wait3A_125, %dma_wait3A_126] : memref<204800x128xf32, #tpu.memory_space<hbm>> -> memref<128x128xf32, #tpu.memory_space<hbm>>
      %dma_wait3A_128 = arith.constant 0 : i32
      %dma_wait3A_129 = arith.constant 0 : i32
      %dma_wait3A_130 = tpu.memref_slice %arg4[%dma_wait3A_128, %dma_wait3A_129] : memref<204800x128xf32, #tpu.memory_space<hbm>> -> memref<128x128xf32, #tpu.memory_space<hbm>>
      tpu.wait_dma2 semaphore(%arg14 : memref<!tpu.dma_semaphore, #tpu.memory_space<semaphore_mem>>) src(%dma_wait3A_130 : memref<128x128xf32, #tpu.memory_space<hbm>>) dst(%arg9 : memref<128x128xf32, #tpu.memory_space<vmem>>)
      %mul3A_131 = arith.constant 128 : i32
      %mul3A_132 = arith.muli %add3A_124, %mul3A_131 : i32
      %add3A_133 = arith.addi %mul3A_2, %mul3A_132 : i32
      %dma_start3A_134 = arith.constant 0 : i32
      %dma_start3A_135 = tpu.memref_slice %arg4[%add3A_133, %dma_start3A_134] : memref<204800x128xf32, #tpu.memory_space<hbm>> -> memref<128x128xf32, #tpu.memory_space<hbm>>
      %dma_start3A_136 = arith.constant 0 : i32
      %dma_start3A_137 = tpu.memref_slice %arg4[%add3A_133, %dma_start3A_136] : memref<204800x128xf32, #tpu.memory_space<hbm>> -> memref<128x128xf32, #tpu.memory_space<hbm>>
      tpu.enqueue_dma source(%arg9 : memref<128x128xf32, #tpu.memory_space<vmem>>) target(%dma_start3A_137 : memref<128x128xf32, #tpu.memory_space<hbm>>) target_semaphore(%arg19 : memref<!tpu.dma_semaphore, #tpu.memory_space<semaphore_mem>>)
      %add3A_138 = arith.constant 3 : i32
      %add3A_139 = arith.addi %add3A_124, %add3A_138 : i32
      %lt3A_140 = arith.constant 50 : i32
      %lt3A_141 = arith.cmpi slt, %add3A_139, %lt3A_140 : i32
      %convert_element_type3A_142 = arith.extui %lt3A_141 : i1 to i32
      %cond3A_143 = arith.constant 0 : i32
      %cond3A_144 = arith.cmpi ne, %convert_element_type3A_142, %cond3A_143 : i32
      scf.if %cond3A_144 {
        %ge3A = arith.constant 2 : i32
        %ge3A_169 = arith.cmpi sge, %add3A_124, %ge3A : i32
        %convert_element_type3A_170 = arith.extui %ge3A_169 : i1 to i32
        %cond3A_171 = arith.constant 0 : i32
        %cond3A_172 = arith.cmpi ne, %convert_element_type3A_170, %cond3A_171 : i32
        scf.if %cond3A_172 {
          %dma_wait3A_181 = arith.constant 0 : i32
          %dma_wait3A_182 = arith.constant 0 : i32
          %dma_wait3A_183 = tpu.memref_slice %arg4[%dma_wait3A_181, %dma_wait3A_182] : memref<204800x128xf32, #tpu.memory_space<hbm>> -> memref<128x128xf32, #tpu.memory_space<hbm>>
          %dma_wait3A_184 = arith.constant 0 : i32
          %dma_wait3A_185 = arith.constant 0 : i32
          %dma_wait3A_186 = tpu.memref_slice %arg4[%dma_wait3A_184, %dma_wait3A_185] : memref<204800x128xf32, #tpu.memory_space<hbm>> -> memref<128x128xf32, #tpu.memory_space<hbm>>
          tpu.wait_dma2 semaphore(%arg17 : memref<!tpu.dma_semaphore, #tpu.memory_space<semaphore_mem>>) src(%arg7 : memref<128x128xf32, #tpu.memory_space<vmem>>) dst(%dma_wait3A_186 : memref<128x128xf32, #tpu.memory_space<hbm>>)
        } else {
        }
        %add3A_173 = arith.constant 3 : i32
        %add3A_174 = arith.addi %add3A_124, %add3A_173 : i32
        %mul3A_175 = arith.constant 128 : i32
        %mul3A_176 = arith.muli %add3A_174, %mul3A_175 : i32
        %dma_start3A_177 = tpu.memref_slice %arg5[%mul3A_176] : memref<6400xi32, #tpu.memory_space<vmem>> -> memref<128xi32, #tpu.memory_space<vmem>>
        %dma_start3A_178 = arith.constant 0 : i32
        %dma_start3A_179 = arith.constant 0 : i32
        %dma_start3A_180 = tpu.memref_slice %arg3[%dma_start3A_178, %dma_start3A_179] : memref<100000x128xf32, #tpu.memory_space<hbm>> -> memref<100000x128xf32, #tpu.memory_space<hbm>>
        tpu.enqueue_indirect_dma source(%dma_start3A_180 : memref<100000x128xf32, #tpu.memory_space<hbm>>) target(%arg7 : memref<128x128xf32, #tpu.memory_space<vmem>>) offsets(%dma_start3A_177 : memref<128xi32, #tpu.memory_space<vmem>>) semaphore(%arg12 : memref<!tpu.dma_semaphore, #tpu.memory_space<semaphore_mem>>)
      } else {
      }
      %mul3A_145 = arith.constant 5 : i32
      %mul3A_146 = arith.muli %scan3A_51, %mul3A_145 : i32
      %add3A_147 = arith.constant 4 : i32
      %add3A_148 = arith.addi %mul3A_146, %add3A_147 : i32
      %dma_wait3A_149 = arith.constant 0 : i32
      %dma_wait3A_150 = arith.constant 0 : i32
      %dma_wait3A_151 = tpu.memref_slice %arg4[%dma_wait3A_149, %dma_wait3A_150] : memref<204800x128xf32, #tpu.memory_space<hbm>> -> memref<128x128xf32, #tpu.memory_space<hbm>>
      %dma_wait3A_152 = arith.constant 0 : i32
      %dma_wait3A_153 = arith.constant 0 : i32
      %dma_wait3A_154 = tpu.memref_slice %arg4[%dma_wait3A_152, %dma_wait3A_153] : memref<204800x128xf32, #tpu.memory_space<hbm>> -> memref<128x128xf32, #tpu.memory_space<hbm>>
      tpu.wait_dma2 semaphore(%arg15 : memref<!tpu.dma_semaphore, #tpu.memory_space<semaphore_mem>>) src(%dma_wait3A_154 : memref<128x128xf32, #tpu.memory_space<hbm>>) dst(%arg10 : memref<128x128xf32, #tpu.memory_space<vmem>>)
      %mul3A_155 = arith.constant 128 : i32
      %mul3A_156 = arith.muli %add3A_148, %mul3A_155 : i32
      %add3A_157 = arith.addi %mul3A_2, %mul3A_156 : i32
      %dma_start3A_158 = arith.constant 0 : i32
      %dma_start3A_159 = tpu.memref_slice %arg4[%add3A_157, %dma_start3A_158] : memref<204800x128xf32, #tpu.memory_space<hbm>> -> memref<128x128xf32, #tpu.memory_space<hbm>>
      %dma_start3A_160 = arith.constant 0 : i32
      %dma_start3A_161 = tpu.memref_slice %arg4[%add3A_157, %dma_start3A_160] : memref<204800x128xf32, #tpu.memory_space<hbm>> -> memref<128x128xf32, #tpu.memory_space<hbm>>
      tpu.enqueue_dma source(%arg10 : memref<128x128xf32, #tpu.memory_space<vmem>>) target(%dma_start3A_161 : memref<128x128xf32, #tpu.memory_space<hbm>>) target_semaphore(%arg20 : memref<!tpu.dma_semaphore, #tpu.memory_space<semaphore_mem>>)
      %add3A_162 = arith.constant 3 : i32
      %add3A_163 = arith.addi %add3A_148, %add3A_162 : i32
      %lt3A_164 = arith.constant 50 : i32
      %lt3A_165 = arith.cmpi slt, %add3A_163, %lt3A_164 : i32
      %convert_element_type3A_166 = arith.extui %lt3A_165 : i1 to i32
      %cond3A_167 = arith.constant 0 : i32
      %cond3A_168 = arith.cmpi ne, %convert_element_type3A_166, %cond3A_167 : i32
      scf.if %cond3A_168 {
        %ge3A = arith.constant 2 : i32
        %ge3A_169 = arith.cmpi sge, %add3A_148, %ge3A : i32
        %convert_element_type3A_170 = arith.extui %ge3A_169 : i1 to i32
        %cond3A_171 = arith.constant 0 : i32
        %cond3A_172 = arith.cmpi ne, %convert_element_type3A_170, %cond3A_171 : i32
        scf.if %cond3A_172 {
          %dma_wait3A_181 = arith.constant 0 : i32
          %dma_wait3A_182 = arith.constant 0 : i32
          %dma_wait3A_183 = tpu.memref_slice %arg4[%dma_wait3A_181, %dma_wait3A_182] : memref<204800x128xf32, #tpu.memory_space<hbm>> -> memref<128x128xf32, #tpu.memory_space<hbm>>
          %dma_wait3A_184 = arith.constant 0 : i32
          %dma_wait3A_185 = arith.constant 0 : i32
          %dma_wait3A_186 = tpu.memref_slice %arg4[%dma_wait3A_184, %dma_wait3A_185] : memref<204800x128xf32, #tpu.memory_space<hbm>> -> memref<128x128xf32, #tpu.memory_space<hbm>>
          tpu.wait_dma2 semaphore(%arg18 : memref<!tpu.dma_semaphore, #tpu.memory_space<semaphore_mem>>) src(%arg8 : memref<128x128xf32, #tpu.memory_space<vmem>>) dst(%dma_wait3A_186 : memref<128x128xf32, #tpu.memory_space<hbm>>)
        } else {
        }
        %add3A_173 = arith.constant 3 : i32
        %add3A_174 = arith.addi %add3A_148, %add3A_173 : i32
        %mul3A_175 = arith.constant 128 : i32
        %mul3A_176 = arith.muli %add3A_174, %mul3A_175 : i32
        %dma_start3A_177 = tpu.memref_slice %arg5[%mul3A_176] : memref<6400xi32, #tpu.memory_space<vmem>> -> memref<128xi32, #tpu.memory_space<vmem>>
        %dma_start3A_178 = arith.constant 0 : i32
        %dma_start3A_179 = arith.constant 0 : i32
        %dma_start3A_180 = tpu.memref_slice %arg3[%dma_start3A_178, %dma_start3A_179] : memref<100000x128xf32, #tpu.memory_space<hbm>> -> memref<100000x128xf32, #tpu.memory_space<hbm>>
        tpu.enqueue_indirect_dma source(%dma_start3A_180 : memref<100000x128xf32, #tpu.memory_space<hbm>>) target(%arg8 : memref<128x128xf32, #tpu.memory_space<vmem>>) offsets(%dma_start3A_177 : memref<128xi32, #tpu.memory_space<vmem>>) semaphore(%arg13 : memref<!tpu.dma_semaphore, #tpu.memory_space<semaphore_mem>>)
      } else {
      }
    }
    %scan3A_21 = arith.constant 10 : i32
    %dma_wait3A = arith.constant 0 : i32
    %dma_wait3A_22 = arith.constant 0 : i32
    %dma_wait3A_23 = tpu.memref_slice %arg4[%dma_wait3A, %dma_wait3A_22] : memref<204800x128xf32, #tpu.memory_space<hbm>> -> memref<128x128xf32, #tpu.memory_space<hbm>>
    %dma_wait3A_24 = arith.constant 0 : i32
    %dma_wait3A_25 = arith.constant 0 : i32
    %dma_wait3A_26 = tpu.memref_slice %arg4[%dma_wait3A_24, %dma_wait3A_25] : memref<204800x128xf32, #tpu.memory_space<hbm>> -> memref<128x128xf32, #tpu.memory_space<hbm>>
    tpu.wait_dma2 semaphore(%arg16 : memref<!tpu.dma_semaphore, #tpu.memory_space<semaphore_mem>>) src(%arg6 : memref<128x128xf32, #tpu.memory_space<vmem>>) dst(%dma_wait3A_26 : memref<128x128xf32, #tpu.memory_space<hbm>>)
    %dma_wait3A_27 = arith.constant 0 : i32
    %dma_wait3A_28 = arith.constant 0 : i32
    %dma_wait3A_29 = tpu.memref_slice %arg4[%dma_wait3A_27, %dma_wait3A_28] : memref<204800x128xf32, #tpu.memory_space<hbm>> -> memref<128x128xf32, #tpu.memory_space<hbm>>
    %dma_wait3A_30 = arith.constant 0 : i32
    %dma_wait3A_31 = arith.constant 0 : i32
    %dma_wait3A_32 = tpu.memref_slice %arg4[%dma_wait3A_30, %dma_wait3A_31] : memref<204800x128xf32, #tpu.memory_space<hbm>> -> memref<128x128xf32, #tpu.memory_space<hbm>>
    tpu.wait_dma2 semaphore(%arg17 : memref<!tpu.dma_semaphore, #tpu.memory_space<semaphore_mem>>) src(%arg7 : memref<128x128xf32, #tpu.memory_space<vmem>>) dst(%dma_wait3A_32 : memref<128x128xf32, #tpu.memory_space<hbm>>)
    %dma_wait3A_33 = arith.constant 0 : i32
    %dma_wait3A_34 = arith.constant 0 : i32
    %dma_wait3A_35 = tpu.memref_slice %arg4[%dma_wait3A_33, %dma_wait3A_34] : memref<204800x128xf32, #tpu.memory_space<hbm>> -> memref<128x128xf32, #tpu.memory_space<hbm>>
    %dma_wait3A_36 = arith.constant 0 : i32
    %dma_wait3A_37 = arith.constant 0 : i32
    %dma_wait3A_38 = tpu.memref_slice %arg4[%dma_wait3A_36, %dma_wait3A_37] : memref<204800x128xf32, #tpu.memory_space<hbm>> -> memref<128x128xf32, #tpu.memory_space<hbm>>
    tpu.wait_dma2 semaphore(%arg18 : memref<!tpu.dma_semaphore, #tpu.memory_space<semaphore_mem>>) src(%arg8 : memref<128x128xf32, #tpu.memory_space<vmem>>) dst(%dma_wait3A_38 : memref<128x128xf32, #tpu.memory_space<hbm>>)
    %dma_wait3A_39 = arith.constant 0 : i32
    %dma_wait3A_40 = arith.constant 0 : i32
    %dma_wait3A_41 = tpu.memref_slice %arg4[%dma_wait3A_39, %dma_wait3A_40] : memref<204800x128xf32, #tpu.memory_space<hbm>> -> memref<128x128xf32, #tpu.memory_space<hbm>>
    %dma_wait3A_42 = arith.constant 0 : i32
    %dma_wait3A_43 = arith.constant 0 : i32
    %dma_wait3A_44 = tpu.memref_slice %arg4[%dma_wait3A_42, %dma_wait3A_43] : memref<204800x128xf32, #tpu.memory_space<hbm>> -> memref<128x128xf32, #tpu.memory_space<hbm>>
    tpu.wait_dma2 semaphore(%arg19 : memref<!tpu.dma_semaphore, #tpu.memory_space<semaphore_mem>>) src(%arg9 : memref<128x128xf32, #tpu.memory_space<vmem>>) dst(%dma_wait3A_44 : memref<128x128xf32, #tpu.memory_space<hbm>>)
    %dma_wait3A_45 = arith.constant 0 : i32
    %dma_wait3A_46 = arith.constant 0 : i32
    %dma_wait3A_47 = tpu.memref_slice %arg4[%dma_wait3A_45, %dma_wait3A_46] : memref<204800x128xf32, #tpu.memory_space<hbm>> -> memref<128x128xf32, #tpu.memory_space<hbm>>
    %dma_wait3A_48 = arith.constant 0 : i32
    %dma_wait3A_49 = arith.constant 0 : i32
    %dma_wait3A_50 = tpu.memref_slice %arg4[%dma_wait3A_48, %dma_wait3A_49] : memref<204800x128xf32, #tpu.memory_space<hbm>> -> memref<128x128xf32, #tpu.memory_space<hbm>>
    tpu.wait_dma2 semaphore(%arg20 : memref<!tpu.dma_semaphore, #tpu.memory_space<semaphore_mem>>) src(%arg10 : memref<128x128xf32, #tpu.memory_space<vmem>>) dst(%dma_wait3A_50 : memref<128x128xf32, #tpu.memory_space<hbm>>)
    return
  }
}

module attributes {stable_mosaic.version = 14 : i64} {
  func.func @_tc_pos_body(%arg0: i32, %arg1: memref<200x128xf32, #tpu.memory_space<vmem>>, %arg2: memref<32x200x128xf32, #tpu.memory_space<vmem>>) attributes {dimension_semantics = [#tpu.dimension_semantics<arbitrary>], iteration_bounds = array<i64: 32>, scalar_prefetch = 0 : i64, scratch_operands = 0 : i64, tpu.core_type = #tpu.core_type<tc>, window_params = [{pipeline_mode = #tpu.pipeline_mode<synchronous>, transform_indices = @transform_0, window_bounds = array<i64: 200, 128>}, {transform_indices = @transform_1, window_bounds = array<i64: 32, 200, 128>}]} {
    %get3A = arith.constant 0 : index
    %get3A_0 = arith.constant 0 : index
    %get3A_1 = vector.load %arg1[%get3A, %get3A_0] : memref<200x128xf32, #tpu.memory_space<vmem>>, vector<200x128xf32>
    %broadcast_in_dim3A = vector.shape_cast %get3A_1 : vector<200x128xf32> to vector<1x200x128xf32>
    %broadcast_in_dim3A_2 = vector.shape_cast %broadcast_in_dim3A : vector<1x200x128xf32> to vector<1x200x128xf32>
    %broadcast_in_dim3A_3 = vector.broadcast %broadcast_in_dim3A_2 : vector<1x200x128xf32> to vector<32x200x128xf32>
    %swap3A = arith.constant 0 : index
    %swap3A_4 = arith.constant 0 : index
    %swap3A_5 = arith.constant 0 : index
    %swap3A_6 = vector.load %arg2[%swap3A, %swap3A_4, %swap3A_5] : memref<32x200x128xf32, #tpu.memory_space<vmem>>, vector<32x200x128xf32>
    tpu.vector_store %arg2[%swap3A, %swap3A_4, %swap3A_5], %broadcast_in_dim3A_3 {strides = array<i32>} : memref<32x200x128xf32, #tpu.memory_space<vmem>>, vector<32x200x128xf32>,
    return
  }
  func.func @transform_0(%arg0: i32) -> (i32, i32) {
    %c0_i32 = arith.constant 0 : i32
    %c0_i32_0 = arith.constant 0 : i32
    %c0_i32_1 = arith.constant 0 : i32
    return %c0_i32, %c0_i32_0 : i32, i32
  }
  func.func @transform_1(%arg0: i32) -> (i32, i32, i32) {
    %c0_i32 = arith.constant 0 : i32
    %c0_i32_0 = arith.constant 0 : i32
    %c0_i32_1 = arith.constant 0 : i32
    return %arg0, %c0_i32, %c0_i32_0 : i32, i32, i32
  }
}

module attributes {stable_mosaic.version = 14 : i64} {
  func.func @_tc_body(%arg0: i32, %arg1: memref<32x200x128xf32, #tpu.memory_space<vmem>>, %arg2: memref<32x200xf32, #tpu.memory_space<vmem>>, %arg3: memref<200x128xf32, #tpu.memory_space<vmem>>, %arg4: memref<2x128xf32, #tpu.memory_space<vmem>>, %arg5: memref<2x128xf32, #tpu.memory_space<vmem>>, %arg6: memref<32x200x128xf32, #tpu.memory_space<vmem>>) attributes {dimension_semantics = [#tpu.dimension_semantics<arbitrary>], iteration_bounds = array<i64: 32>, scalar_prefetch = 0 : i64, scratch_operands = 0 : i64, tpu.core_type = #tpu.core_type<tc>, window_params = [{transform_indices = @transform_0, window_bounds = array<i64: 32, 200, 128>}, {transform_indices = @transform_1, window_bounds = array<i64: 32, 200>}, {pipeline_mode = #tpu.pipeline_mode<synchronous>, transform_indices = @transform_2, window_bounds = array<i64: 200, 128>}, {pipeline_mode = #tpu.pipeline_mode<synchronous>, transform_indices = @transform_3, window_bounds = array<i64: 2, 128>}, {pipeline_mode = #tpu.pipeline_mode<synchronous>, transform_indices = @transform_4, window_bounds = array<i64: 2, 128>}, {transform_indices = @transform_5, window_bounds = array<i64: 32, 200, 128>}]} {
    %get3A = arith.constant 0 : index
    %get3A_0 = arith.constant 0 : index
    %get3A_1 = arith.constant 0 : index
    %get3A_2 = vector.load %arg1[%get3A, %get3A_0, %get3A_1] : memref<32x200x128xf32, #tpu.memory_space<vmem>>, vector<32x200x128xf32>
    %get3A_3 = arith.constant 0 : index
    %get3A_4 = arith.constant 0 : index
    %get3A_5 = vector.load %arg3[%get3A_3, %get3A_4] : memref<200x128xf32, #tpu.memory_space<vmem>>, vector<200x128xf32>
    %get3A_6 = arith.constant 0 : index
    %get3A_7 = arith.constant 0 : index
    %get3A_8 = vector.load %arg4[%get3A_6, %get3A_7] : memref<2x128xf32, #tpu.memory_space<vmem>>, vector<2x128xf32>
    %get3A_9 = arith.constant 0 : index
    %get3A_10 = arith.constant 0 : index
    %get3A_11 = vector.load %arg5[%get3A_9, %get3A_10] : memref<2x128xf32, #tpu.memory_space<vmem>>, vector<2x128xf32>
    %get3A_12 = arith.constant 0 : index
    %get3A_13 = arith.constant 0 : index
    %get3A_14 = vector.load %arg2[%get3A_12, %get3A_13] : memref<32x200xf32, #tpu.memory_space<vmem>>, vector<32x200xf32>
    %broadcast_in_dim3A = vector.shape_cast %get3A_5 : vector<200x128xf32> to vector<1x200x128xf32>
    %add3A = vector.broadcast %broadcast_in_dim3A : vector<1x200x128xf32> to vector<32x200x128xf32>
    %add3A_15 = arith.addf %get3A_2, %add3A : vector<32x200x128xf32>
    %slice3A = vector.extract_strided_slice %get3A_8 {offsets = [0, 0], sizes = [1, 128], strides = [1, 1]} : vector<2x128xf32> to vector<1x128xf32>
    %squeeze3A = vector.shape_cast %slice3A : vector<1x128xf32> to vector<128xf32>
    %broadcast_in_dim3A_16 = vector.shape_cast %squeeze3A : vector<128xf32> to vector<1x1x128xf32>
    %slice3A_17 = vector.extract_strided_slice %get3A_8 {offsets = [1, 0], sizes = [1, 128], strides = [1, 1]} : vector<2x128xf32> to vector<1x128xf32>
    %squeeze3A_18 = vector.shape_cast %slice3A_17 : vector<1x128xf32> to vector<128xf32>
    %slice3A_19 = vector.extract_strided_slice %get3A_8 {offsets = [0, 0], sizes = [1, 128], strides = [1, 1]} : vector<2x128xf32> to vector<1x128xf32>
    %squeeze3A_20 = vector.shape_cast %slice3A_19 : vector<1x128xf32> to vector<128xf32>
    %sub3A = arith.subf %squeeze3A_18, %squeeze3A_20 : vector<128xf32>
    %broadcast_in_dim3A_21 = vector.shape_cast %sub3A : vector<128xf32> to vector<1x1x128xf32>
    %add3A_22 = vector.broadcast %broadcast_in_dim3A_16 : vector<1x1x128xf32> to vector<32x200x128xf32>
    %add3A_23 = arith.addf %add3A_15, %add3A_22 : vector<32x200x128xf32>
    %broadcast_in_dim3A_24 = vector.shape_cast %get3A_14 : vector<32x200xf32> to vector<32x200x1xf32>
    %mul3A = vector.broadcast %broadcast_in_dim3A_24 : vector<32x200x1xf32> to vector<32x200x128xf32>
    %mul3A_25 = vector.broadcast %broadcast_in_dim3A_21 : vector<1x1x128xf32> to vector<32x200x128xf32>
    %mul3A_26 = arith.mulf %mul3A, %mul3A_25 : vector<32x200x128xf32>
    %add3A_27 = arith.addf %add3A_23, %mul3A_26 : vector<32x200x128xf32>
    %reduce_sum3A = arith.constant dense<0.000000e+00> : vector<32x200xf32>
    %reduce_sum3A_28 = vector.multi_reduction <add>, %add3A_27, %reduce_sum3A [2] : vector<32x200x128xf32> to vector<32x200xf32>
    %broadcast_in_dim3A_29 = vector.shape_cast %reduce_sum3A_28 : vector<32x200xf32> to vector<32x200x1xf32>
    %div3A = arith.constant 1.280000e+02 : f32
    %div3A_30 = vector.broadcast %div3A : f32 to vector<32x200x1xf32>
    %div3A_31 = arith.divf %broadcast_in_dim3A_29, %div3A_30 : vector<32x200x1xf32>
    %sub3A_32 = vector.broadcast %div3A_31 : vector<32x200x1xf32> to vector<32x200x128xf32>
    %sub3A_33 = arith.subf %add3A_27, %sub3A_32 : vector<32x200x128xf32>
    %mul3A_34 = arith.mulf %sub3A_33, %sub3A_33 : vector<32x200x128xf32>
    %reduce_sum3A_35 = arith.constant dense<0.000000e+00> : vector<32x200xf32>
    %reduce_sum3A_36 = vector.multi_reduction <add>, %mul3A_34, %reduce_sum3A_35 [2] : vector<32x200x128xf32> to vector<32x200xf32>
    %broadcast_in_dim3A_37 = vector.shape_cast %reduce_sum3A_36 : vector<32x200xf32> to vector<32x200x1xf32>
    %div3A_38 = arith.constant 1.280000e+02 : f32
    %div3A_39 = vector.broadcast %div3A_38 : f32 to vector<32x200x1xf32>
    %div3A_40 = arith.divf %broadcast_in_dim3A_37, %div3A_39 : vector<32x200x1xf32>
    %add3A_41 = arith.constant 1.000000e-07 : f32
    %add3A_42 = vector.broadcast %add3A_41 : f32 to vector<32x200x1xf32>
    %add3A_43 = arith.addf %div3A_40, %add3A_42 : vector<32x200x1xf32>
    %rsqrt3A = math.rsqrt %add3A_43 : vector<32x200x1xf32>
    %mul3A_44 = vector.broadcast %rsqrt3A : vector<32x200x1xf32> to vector<32x200x128xf32>
    %mul3A_45 = arith.mulf %sub3A_33, %mul3A_44 : vector<32x200x128xf32>
    %slice3A_46 = vector.extract_strided_slice %get3A_11 {offsets = [0, 0], sizes = [1, 128], strides = [1, 1]} : vector<2x128xf32> to vector<1x128xf32>
    %squeeze3A_47 = vector.shape_cast %slice3A_46 : vector<1x128xf32> to vector<128xf32>
    %broadcast_in_dim3A_48 = vector.shape_cast %squeeze3A_47 : vector<128xf32> to vector<1x1x128xf32>
    %mul3A_49 = vector.broadcast %broadcast_in_dim3A_48 : vector<1x1x128xf32> to vector<32x200x128xf32>
    %mul3A_50 = arith.mulf %mul3A_45, %mul3A_49 : vector<32x200x128xf32>
    %slice3A_51 = vector.extract_strided_slice %get3A_11 {offsets = [1, 0], sizes = [1, 128], strides = [1, 1]} : vector<2x128xf32> to vector<1x128xf32>
    %squeeze3A_52 = vector.shape_cast %slice3A_51 : vector<1x128xf32> to vector<128xf32>
    %broadcast_in_dim3A_53 = vector.shape_cast %squeeze3A_52 : vector<128xf32> to vector<1x1x128xf32>
    %add3A_54 = vector.broadcast %broadcast_in_dim3A_53 : vector<1x1x128xf32> to vector<32x200x128xf32>
    %add3A_55 = arith.addf %mul3A_50, %add3A_54 : vector<32x200x128xf32>
    %swap3A = arith.constant 0 : index
    %swap3A_56 = arith.constant 0 : index
    %swap3A_57 = arith.constant 0 : index
    %swap3A_58 = vector.load %arg6[%swap3A, %swap3A_56, %swap3A_57] : memref<32x200x128xf32, #tpu.memory_space<vmem>>, vector<32x200x128xf32>
    tpu.vector_store %arg6[%swap3A, %swap3A_56, %swap3A_57], %add3A_55 {strides = array<i32>} : memref<32x200x128xf32, #tpu.memory_space<vmem>>, vector<32x200x128xf32>,
    return
  }
  func.func @transform_0(%arg0: i32) -> (i32, i32, i32) {
    %c0_i32 = arith.constant 0 : i32
    %c0_i32_0 = arith.constant 0 : i32
    %c0_i32_1 = arith.constant 0 : i32
    return %arg0, %c0_i32, %c0_i32_0 : i32, i32, i32
  }
  func.func @transform_1(%arg0: i32) -> (i32, i32) {
    %c0_i32 = arith.constant 0 : i32
    %c0_i32_0 = arith.constant 0 : i32
    return %arg0, %c0_i32 : i32, i32
  }
  func.func @transform_2(%arg0: i32) -> (i32, i32) {
    %c0_i32 = arith.constant 0 : i32
    %c0_i32_0 = arith.constant 0 : i32
    %c0_i32_1 = arith.constant 0 : i32
    return %c0_i32, %c0_i32_0 : i32, i32
  }
  func.func @transform_3(%arg0: i32) -> (i32, i32) {
    %c0_i32 = arith.constant 0 : i32
    %c0_i32_0 = arith.constant 0 : i32
    %c0_i32_1 = arith.constant 0 : i32
    return %c0_i32, %c0_i32_0 : i32, i32
  }
  func.func @transform_4(%arg0: i32) -> (i32, i32) {
    %c0_i32 = arith.constant 0 : i32
    %c0_i32_0 = arith.constant 0 : i32
    %c0_i32_1 = arith.constant 0 : i32
    return %c0_i32, %c0_i32_0 : i32, i32
  }
  func.func @transform_5(%arg0: i32) -> (i32, i32, i32) {
    %c0_i32 = arith.constant 0 : i32
    %c0_i32_0 = arith.constant 0 : i32
    %c0_i32_1 = arith.constant 0 : i32
    return %arg0, %c0_i32, %c0_i32_0 : i32, i32, i32
  }
}

</mosaic_0001>

<sc_bundles>
// kernel: kernel.5.cloned.1.call-start
scs
__scs_entry_jumppad:
0x0: {  	(pc) =	sbr.rel $0x88, $3  }
0x1: {  	(tag) =	ssettag $0x0;
	lr =	simm.s32 $0x1  }
0x2: {  	[smem:$0x3F9A] =	sst lr;
	_ =	strace $0xD0000000  }
0x3: {  	_ = 	snop  }
0x4: {  	_ = 	snop  }
0x5: {  	_ = 	snop  }
0x6: {  	_ = 	snop  }
0x7: {  	_ = 	snop  }
__scs_overlays_trampoline_lowered:
0x8: {  	[smem:$0x3FA9] =	sst s0  }
0x9: {  	[smem:$0x3FAA] =	sst s1  }
0xa: {  	[smem:$0x3FAB] =	sst s2  }
0xb: {  	[smem:$0x3FAC] =	sst s3  }
0xc: {  	[smem:$0x3FAD] =	sst s4  }
0xd: {  	[smem:$0x3FAE] =	sst s5  }
0xe: {  	[smem:$0x3FAF] =	sst s6  }
0xf: {  	[smem:$0x3FB0] =	sst s7  }
0x10: {  	[smem:$0x3FB1] =	sst s8  }
0x11: {  	[smem:$0x3FB2] =	sst s9;
	s0 =	simm.s32 @!p0 $0x0  }
0x12: {  	s1 =	sld [smem:$0x3F98];
	s0 =	simm.s32 @p0 $0x1  }
0x13: {  	[smem:$0x3FB3] =	sst s0;
	s0 =	simm.s32 @!p1 $0x0  }
0x14: {  	s2 =	sld [smem:$0x3F97];
	s0 =	simm.s32 @p1 $0x1  }
0x15: {  	[smem:$0x3FB4] =	sst s0;
	s0 =	simm.s32 @!p2 $0x0  }
0x16: {  	s3 =	sld [smem:$0x3FDB];
	s0 =	simm.s32 @p2 $0x1  }
0x17: {  	s4 =	simm.s32 $0x1BF5;
	[smem:$0x3FB6] =	sst s0  }
0x18: {  	s0 =	sld [smem:$0x3F99];
	_ =	swait.ge [sflag:s4], $0x0  }
0x19: {  	s7 =	sld [smem:$0x3F9A]  }
0x1a: {  	s8 =	sadd.s32 $0xFFFFE003, lr  }
0x1b: {  	s9 =	sadd.s32 $0xFFFFFEF7, lr;
	s5 =	simm.s32 $0xFFFFFFFF;
	p2 =	slt.u32 s8, $0xFFFFF086  }
0x1c: {  	p1 =	slt.u32 s9, $0xF7A;
	s5 =	simm.s32 @!p2 $0x0  }
0x1d: {  	s5 =	simm.s32 @p1 $0x1;
	p0 =	seq.s32 s7, s2  }
0x1e: {  	s7 =	smul.u32 @!p0 $0xF7A, s2;
	p2 =	seq.s32 @!p0 s5, $0x0  }
0x1f: {  	s9 =	smul.u32 $0xF7A, s1;
	s8 =	simm.s32 @!p0 $0x1BF5;
	p2 =	por !p2, p0  }
0x20: {  	[sflag:s8] =	ssyncset.s32 @!p0 $0xFFFFF086;
	s6 =	sadd.s32 @!p0 s3, s7;
	s7 =	simm.s32 @!p0 $0x108  }
0x21: {  	s3 =	sadd.s32 s3, s9;
	s6 =	sadd.s32 @!p0 $0x88, s6;
	s7 =	simm.s32 @p2 $0x1082  }
0x22: {  	[simem:s7], [sflag:s8] =	dma.local @!p0 [hbm:s6], $0xF7A  }
0x23: {  	s9 =	sor.u32 $0xD0000000, s2;
	s6 =	simm.s32 $0x108;
	_ =	swait.ge @!p0 [sflag:s8], $0x0  }
0x24: {  	s3 =	sadd.s32 $0x88, s3;
	s6 =	simm.s32 @!p1 $0x1082;
	[sflag:s4] =	ssyncset.s32 $0xFFFFF086  }
0x25: {  	[simem:s6], [sflag:s4] =	dma.local [hbm:s3], $0xF7A  }
0x26: {  	[smem:$0x3F9A] =	sst s1;
	(tag) =	ssettag s2;
	_ =	strace s9  }
0x27: {  	s1 =	sld [smem:$0x3FAA]  }
0x28: {  	s2 =	sld [smem:$0x3FAB]  }
0x29: {  	s4 =	sld [smem:$0x3FAD]  }
0x2a: {  	p0 =	seq.s32 s5, $0x0;
	s5 =	sld [smem:$0x3FAE]  }
0x2b: {  	s6 =	sld [smem:$0x3FAF]  }
0x2c: {  	s7 =	sld [smem:$0x3FB0]  }
0x2d: {  	s3 =	simm.s32 $0x108;
	s8 =	sld [smem:$0x3FB1]  }
0x2e: {  	s3 =	simm.s32 @!p0 $0x1082;
	s9 =	sld [smem:$0x3FB2]  }
0x2f: {  	lr =	sadd.s32 s0, s3;
	s0 =	sld [smem:$0x3FA9]  }
0x30: {  	s3 =	sld [smem:$0x3FAC]  }
0x31: {  	[smem:$0x3FB5] =	sst s10  }
0x32: {  	s10 =	sld [smem:$0x3FB3];
	_ =	sdelay $0x3  }
0x33: {  	p0 =	seq.s32 s10, $0x1;
	s10 =	sld [smem:$0x3FB5];
	_ =	sdelay $0x3  }
0x34: {  	[smem:$0x3FB5] =	sst s10  }
0x35: {  	s10 =	sld [smem:$0x3FB4];
	_ =	sdelay $0x3  }
0x36: {  	p1 =	seq.s32 s10, $0x1;
	s10 =	sld [smem:$0x3FB5];
	_ =	sdelay $0x3  }
0x37: {  	[smem:$0x3FB5] =	sst s10  }
0x38: {  	s10 =	sld [smem:$0x3FB6]  }
0x39: {  	_ = 	snop;
	(pc) =	sbr.ind lr, $3  }
0x3a: {  	_ = 	snop  }
0x3b: {  	_ = 	snop  }
0x3c: {  	p2 =	seq.s32 s10, $0x1;
	s10 =	sld [smem:$0x3FB5]  }
0x3d: {  	_ =	shalt  }
0x3e: {  	_ =	shalt  }
0x3f: {  	_ =	shalt  }
0x40: {  	_ =	shalt  }
0x41: {  	_ =	shalt  }
0x42: {  	_ =	shalt  }
0x43: {  	_ =	shalt  }
0x44: {  	_ =	shalt  }
0x45: {  	_ =	shalt  }
0x46: {  	_ =	shalt  }
0x47: {  	_ =	shalt  }
0x48: {  	_ =	shalt  }
0x49: {  	_ =	shalt  }
0x4a: {  	_ =	shalt  }
0x4b: {  	_ =	shalt  }
0x4c: {  	_ =	shalt  }
0x4d: {  	_ =	shalt  }
0x4e: {  	_ =	shalt  }
0x4f: {  	_ =	shalt  }
0x50: {  	_ =	shalt  }
0x51: {  	_ =	shalt  }
0x52: {  	_ =	shalt  }
0x53: {  	_ =	shalt  }
0x54: {  	_ =	shalt  }
0x55: {  	_ =	shalt  }
0x56: {  	_ =	shalt  }
0x57: {  	_ =	shalt  }
0x58: {  	_ =	shalt  }
0x59: {  	_ =	shalt  }
0x5a: {  	_ =	shalt  }
0x5b: {  	_ =	shalt  }
0x5c: {  	_ =	shalt  }
0x5d: {  	_ =	shalt  }
0x5e: {  	_ =	shalt  }
0x5f: {  	_ =	shalt  }
0x60: {  	_ =	shalt  }
0x61: {  	_ =	shalt  }
0x62: {  	_ =	shalt  }
0x63: {  	_ =	shalt  }
0x64: {  	_ =	shalt  }
0x65: {  	_ =	shalt  }
0x66: {  	_ =	shalt  }
0x67: {  	_ =	shalt  }
0x68: {  	_ =	shalt  }
0x69: {  	_ =	shalt  }
0x6a: {  	_ =	shalt  }
0x6b: {  	_ =	shalt  }
0x6c: {  	_ =	shalt  }
0x6d: {  	_ =	shalt  }
0x6e: {  	_ =	shalt  }
0x6f: {  	_ =	shalt  }
0x70: {  	_ =	shalt  }
0x71: {  	_ =	shalt  }
0x72: {  	_ =	shalt  }
0x73: {  	_ =	shalt  }
0x74: {  	_ =	shalt  }
0x75: {  	_ =	shalt  }
0x76: {  	_ =	shalt  }
0x77: {  	_ =	shalt  }
0x78: {  	_ =	shalt  }
0x79: {  	_ =	shalt  }
0x7a: {  	_ =	shalt  }
0x7b: {  	_ =	shalt  }
0x7c: {  	_ =	shalt  }
0x7d: {  	_ =	shalt  }
0x7e: {  	_ =	shalt  }
0x7f: {  	_ =	shalt  }
0x80: {  	_ =	shalt  }
0x81: {  	_ =	shalt  }
0x82: {  	_ =	shalt  }
0x83: {  	_ =	shalt  }
0x84: {  	_ =	shalt  }
0x85: {  	_ =	shalt  }
0x86: {  	_ =	shalt  }
0x87: {  	_ =	shalt  }
.Lfunc_end0:
.L_simem_size_0:
called_computation_lowered:
.L_overlay_start_0:
0x88: {  	s2 =	sld [smem:$0x3FD9]  }
0x89: {  	s3 =	sld [smem:$0x3FFE];
	_ =	sdelay $0x1  }
0x8a: {  	s1 =	srdreg.scid  }
0x8b: {  	s0 =	sand.u32 $0x1, s1  }
0x8c: {  	s14 =	sshll.u32 s0, $0xA;
	s2 =	sadd.s32 s3, s2  }
0x8d: {  	s2 =	sadd.s32 s2, s14  }
0x8e: {  	[smem:$0x3FC1] =	sst s2  }
0x8f: {  	_ = 	snop  }
0x90: {  	s2 =	sld [smem:$0x3FD0];
	_ =	sdelay $0x2  }
0x91: {  	s4 =	simm.s32 $0xA;
	s5 =	simm.s32 $0x10;
	s15 =	sld [smem:$0x3FC7]  }
0x92: {  	[smem:s5], [sflag:s4] =	dma.local [hbm:s2], $0x1  }
0x93: {  	_ =	swait.eq [sflag:s4], $0x1  }
0x94: {  	[sflag:s4] =	ssyncset.done $0x0  }
0x95: {  	[sflag:s4] =	ssyncadd.s32 $0xFFFFFFFF  }
0x96: {  	s16 =	sld [smem:$0x10];
	(tm) =	ssettm $0x1  }
0x97: {  	s17 =	sld [smem:$0x3FFB];
	_ =	sdelay $0x3  }
0x98: {  	_ =	strace s17  }
0x99: {  	s4 =	sld [smem:$0x3FFC];
	_ =	sdelay $0x3  }
0x9a: {  	_ =	strace s4  }
0x9b: {  	s4 =	sld [smem:$0x3FFD];
	_ =	sdelay $0x3  }
0x9c: {  	_ =	strace s4  }
0x9d: {  	_ =	strace $0x8FFFFFFF  }
0x9e: {  	s18 =	sld [smem:$0x3FDB];
	_ =	sdelay $0x1  }
0x9f: {  	s19 =	simm.s32 $_scs_section_size  }
0xa0: {  	s6 =	simm.s32 $_size__tile_overlayer_lowered;
	s7 =	simm.s32 $_tile_overlayer_lowered  }
0xa1: {  	s22 =	simm.s32 $0x1BFF;
	s21 =	sshll.u32 s7, $0x1;
	s4 =	sadd.s32 s19, s18  }
0xa2: {  	s8 =	simm.s32 $0x0;
	s20 =	sshll.u32 s6, $0x1;
	s6 =	sadd.s32 s21, s4  }
0xa3: {  	[timem:s8], [sflag:s22] =	dma.local [hbm:s6], s20  }
0xa4: {  	_ =	swait.ge [sflag:s22], s20  }
0xa5: {  	s5 =	ssub.s32 $0x0, s20;
	[sflag:s22] =	ssyncset.done $0x0  }
0xa6: {  	[sflag:s22] =	ssyncadd.s32 s5;
	_ =	sdelay $0x1  }
0xa7: {  	s23 =	simm.s32 $0x1B8B  }
0xa8: {  	_ =	swait.ge [sflag:s23], $0x1  }
0xa9: {  	[sflag:s23] =	ssyncset.done $0x0  }
0xaa: {  	s25 =	simm.s32 $0x1B8E;
	s24 =	sld [smem:$0x3FFE];
	[sflag:s23] =	ssyncadd.s32 $0xFFFFFFFF  }
0xab: {  	s26 =	simm.s32 $execute0_lowered;
	[smem:$0x3FD2] =	sst s25  }
0xac: {  	s6 =	sshll.u32 s26, $0x1;
	_ =	strace $0x80000046;
	[dreg:$0x1] =	wrdreg $0xFFFFFFFF  }
0xad: {  	s28 =	simm.s32 $_size_execute0_lowered;
	s4 =	sadd.s32 s4, s6;
	[dreg:$0x0] =	wrdreg $0x0  }
0xae: {  	s6 =	sshll.u32 s28, $0x1;
	[dreg:$0x2] =	wrdreg s4  }
0xaf: {  	[dreg:$0x3] =	wrdreg s6  }
0xb0: {  	[dreg:$0x4] =	wrdreg $0xC0  }
0xb1: {  	_ =	task [dreg:s8], $0x5FFFF  }
0xb2: {  	[dreg:$0x1] =	wrdreg $0xFFFFFFFF  }
0xb3: {  	[dreg:$0x0] =	wrdreg $0x60  }
0xb4: {  	[dreg:$0x2] =	wrdreg s16  }
0xb5: {  	[dreg:$0x3] =	wrdreg s15  }
0xb6: {  	[dreg:$0x4] =	wrdreg s24  }
0xb7: {  	[dreg:$0x5] =	wrdreg $0x9  }
0xb8: {  	_ =	task.clear_ibuf [dreg:s8], $0x6FFFF;
	_ =	strace $0x90000046  }
0xb9: {  	s29 =	simm.s32 $0x9;
	_ =	strace $0x80000048  }
0xba: {  	_ =	swait.ge [sflag:s29], $0x1  }
0xbb: {  	[sflag:s29] =	ssyncadd.s32 $0xFFFFFFFF  }
0xbc: {  	_ =	strace $0x90000048  }
0xbd: {  	_ =	sfence  }
0xbe: {  	s30 =	sld [smem:$0x0];
	_ =	sdelay $0x2  }
0xbf: {  	s31 =	sshll.u32 s1, $0xD;
	s1 =	sshrl.u32 s1, $0x2  }
0xc0: {  	s3 =	sand.u32 $0x4000, s31;
	s1 =	sadd.s32 s1, s30  }
0xc1: {  	s0 =	sor.u32 s3, s0;
	s1 =	sshll.u32 s1, $0x11  }
0xc2: {  	s0 =	sor.u32 s1, s0  }
0xc3: {  	s0 =	sadd.s32 $0x8F2B, s0  }
0xc4: {  	[sflag:s0] =	ssyncadd.remote.s32 $0x1  }
0xc5: {  	_ =	sfence.sel $0xFFFF  }
0xc6: {  	[dreg:$0x0] =	wrdreg $0xFFFFFFFF;
	(pc) =	sbr.abs _section_cstart, $3  }
0xc7: {  	[dreg:$0x1] =	wrdreg $0xFFFFFFFF  }
0xc8: {  	_ =	task.clear_ibuf [dreg:s8], $0x2FFFF;
	_ =	strace $0x9FFFFFFF  }
0xc9: {  	(tm) =	ssettm $0x7FFFFFFF  }
tec
execute0_lowered:
.L_overlay_start_1:
0x0: {  	(tag) =	ssettag $0x1  }
0x1: {  	s0 =	rddreg [dreg:$0x0];
	s1 =	srdreg.scid  }
0x2: {  	s10 =	stileid.u32;
	s2 =	rddreg [dreg:$0x1]  }
0x3: {  	s4 =	rddreg [dreg:$0x2];
	s11 =	simm.s32 $0xB;
	s12 =	simm.s32 $0x80  }
0x4: {  	s13 =	simm.s32 $0x1900;
	s14 =	simm.s32 $0x5900;
	s16 =	simm.s32 $0x9900  }
0x5: {  	s28 =	simm.s32 $0x9;
	s29 =	simm.s32 $0xA;
	s7 =	smul.u32 $0x190000, s10  }
0x6: {  	s30 =	simm.s32 $0x0;
	s1 =	sand.u32 $0x1, s1;
	s17 =	smul.u32 $0x32000, s10  }
0x7: {  	s3 =	sshll.u32 s10, $0x1;
	s4 =	sadd.s32 $0xC00, s4;
	s9 =	smul.u32 $0xC8000, s1  }
0x8: {  	s3 =	sor.u32 s1, s3;
	s6 =	ssub.s32 $0x2, s1;
	s18 =	smul.u32 $0x19000, s1  }
0x9: {  	s5 =	smul.u32 $0x1900, s3;
	s3 =	simm.s32 $0x0;
	s8 =	sshrl.u32 s6, $0x1  }
0xa: {  	s21 =	sadd.s32 s17, s4;
	s17 =	simm.s32 $0x1;
	[smem:$0x7FF] =	sst s3  }
0xb: {  	s6 =	ssub.s32 s6, s8;
	s7 =	sadd.s32 s9, s7;
	_ =	strace $0x80000047  }
0xc: {  	s5 =	sshrl.u32 s5, $0x3;
	s19 =	sadd.s32 $0x10000, s7;
	s20 =	smax.u32 s6, $0x1  }
0xd: {  	s23 =	sadd.s32 $0xC000, s7;
	s24 =	sadd.s32 $0x8000, s7;
	s25 =	sor.u32 $0x4000, s7  }
0xe: {  	s0 =	sadd.s32 s0, s5;
	[dreg:$0x5] =	wrdreg s20;
	s1 =	sshrl.u32 s19, $0x3  }
0xf: {  	s5 =	sshrl.u32 s25, $0x3;
	s19 =	simm.s32 $0x2;
	s20 =	simm.s32 $0x11900  }
0x10: {  	s25 =	simm.s32 $0x7;
	[dreg:$0x4] =	wrdreg s0;
	s0 =	sadd.s32 s18, s21  }
0x11: {  	s22 =	sadd.s32 s1, s4;
	s1 =	sshrl.u32 s24, $0x3;
	s31 =	sadd.s32 s5, s4  }
.Ltmp0:
0x12: {  	s18 =	simm.s32 $0xD900;
	[dreg:$0x6] =	wrdreg s0;
	(pc) =	sbr.rel .LBB2_1-.Ltmp0, $4  }
0x13: {  	s21 =	simm.s32 $0x3;
	s24 =	simm.s32 $0x6;
	[dreg:$0x7] =	wrdreg s22  }
0x14: {  	s0 =	sshrl.u32 s23, $0x3;
	s26 =	sadd.s32 s1, s4;
	[dreg:$0xa] =	wrdreg s31  }
0x15: {  	s22 =	simm.s32 $0x4;
	s0 =	sadd.s32 s0, s4;
	[dreg:$0x9] =	wrdreg s26  }
0x16: {  	s23 =	simm.s32 $0x5;
	s26 =	simm.s32 $0x8;
	[dreg:$0x8] =	wrdreg s0  }
.LBB2_4:
0x17: {  	_ =	swait.ge [sflag:s24], $0x4000  }
0x18: {  	[sflag:s24] =	ssyncset.done $0x0  }
0x19: {  	[sflag:s24] =	ssyncadd.s32 $0xFFFFC000  }
0x1a: {  	_ =	swait.ge [sflag:s25], $0x4000  }
0x1b: {  	[sflag:s25] =	ssyncset.done $0x0  }
0x1c: {  	[sflag:s25] =	ssyncadd.s32 $0xFFFFC000  }
0x1d: {  	_ =	swait.ge [sflag:s26], $0x4000  }
0x1e: {  	[sflag:s26] =	ssyncset.done $0x0  }
0x1f: {  	[sflag:s26] =	ssyncadd.s32 $0xFFFFC000  }
0x20: {  	_ =	swait.ge [sflag:s28], $0x4000  }
0x21: {  	[sflag:s28] =	ssyncset.done $0x0  }
0x22: {  	[sflag:s28] =	ssyncadd.s32 $0xFFFFC000  }
0x23: {  	_ =	swait.ge [sflag:s29], $0x4000  }
0x24: {  	s30 =	sadd.s32 $0x1, s30;
	s0 =	rddreg [dreg:$0x5]  }
0x25: {  	p0 =	sne.s32 s30, s0  }
.Ltmp1:
0x26: {  	_ = 	snop;
	(pc) =	sbr.rel @!p0 .LBB2_5-.Ltmp1, $3  }
0x27: {  	_ =	sdelay $0x1  }
0x28: {  	[sflag:s29] =	ssyncset.done $0x0  }
0x29: {  	[sflag:s29] =	ssyncadd.s32 $0xFFFFC000  }
.LBB2_1:
0x2a: {  	s0 =	rddreg [dreg:$0x4]  }
0x2b: {  	[tilespmem:s3], [sflag:$0xB] =	stream.linear.gather [hbm4b:s0+s3], $0x1900, $0x38;
	[tilespmem:$0x15900] =	vst v63  }
0x2c: {  	_ =	swait.ge [sflag:s11], $0x1900  }
0x2d: {  	s31 =	rddreg [dreg:$0xa]  }
0x2e: {  	[sflag:s11] =	ssyncset.done $0x0;
	s9 =	rddreg [dreg:$0x9]  }
0x2f: {  	s8 =	rddreg [dreg:$0x8];
	[sflag:s11] =	ssyncadd.s32 $0xFFFFE700  }
0x30: {  	[tilespmem:s13], [sflag:$0x1] =	stream.indirect.gather [hbm4b:s2+s12], $0x80, s3, s12, $0xb8;
	[tilespmem:$0x15900] =	vst v63  }
0x31: {  	s7 =	rddreg [dreg:$0x7]  }
0x32: {  	[tilespmem:s14], [sflag:$0x2] =	stream.indirect.gather [hbm4b:s2+s12], $0x80, s12, s12, $0xb8;
	[tilespmem:$0x15900] =	vst v63  }
0x33: {  	s15 =	simm.s32 $0x100;
	s5 =	simm.s32 $0x0;
	s6 =	rddreg [dreg:$0x6]  }
0x34: {  	[tilespmem:s16], [sflag:$0x3] =	stream.indirect.gather [hbm4b:s2+s12], $0x80, s15, s12, $0xb8;
	[tilespmem:$0x15900] =	vst v63  }
.LBB2_2:
0x35: {  	_ =	swait.ge [sflag:s17], $0x4000  }
0x36: {  	p0 =	seq.s32 s5, $0x0;
	[sflag:s17] =	ssyncset.done $0x0  }
0x37: {  	s15 =	simm.s32 @!p0 $0x9;
	[sflag:s17] =	ssyncadd.s32 $0xFFFFC000  }
0x38: {  	[hbm4b:s6+s3] =	stream.linear.scatter [tilespmem:s13], [sflag:$0x6], $0x4000, $0x38;
	[tilespmem:$0x15900] =	vst v63  }
0x39: {  	_ =	swait.ge @!p0 [sflag:s15], $0x4000  }
0x3a: {  	s4 =	sshra.s32 s5, $0x2;
	[sflag:s15] =	ssyncset.done @!p0 $0x0  }
0x3b: {  	s1 =	sadd.s32 $0x180, s4;
	[sflag:s15] =	ssyncadd.s32 @!p0 $0xFFFFC000  }
0x3c: {  	[tilespmem:s18], [sflag:$0x4] =	stream.indirect.gather [hbm4b:s2+s12], $0x80, s1, s12, $0xb8;
	[tilespmem:$0x15900] =	vst v63  }
0x3d: {  	_ =	swait.ge [sflag:s19], $0x4000  }
0x3e: {  	[sflag:s19] =	ssyncset.done $0x0  }
0x3f: {  	s15 =	simm.s32 @!p0 $0xA;
	[sflag:s19] =	ssyncadd.s32 $0xFFFFC000  }
0x40: {  	[hbm4b:s31+s3] =	stream.linear.scatter [tilespmem:s14], [sflag:$0x7], $0x4000, $0x38;
	[tilespmem:$0x15900] =	vst v63  }
0x41: {  	_ =	swait.ge @!p0 [sflag:s15], $0x4000  }
0x42: {  	[sflag:s15] =	ssyncset.done @!p0 $0x0  }
0x43: {  	s10 =	sadd.s32 $0x200, s4;
	[sflag:s15] =	ssyncadd.s32 @!p0 $0xFFFFC000  }
0x44: {  	[tilespmem:s20], [sflag:$0x5] =	stream.indirect.gather [hbm4b:s2+s12], $0x80, s10, s12, $0xb8;
	[tilespmem:$0x15900] =	vst v63  }
0x45: {  	_ =	swait.ge [sflag:s21], $0x4000  }
0x46: {  	p0 =	seq.s32 s5, $0x5A00;
	[sflag:s21] =	ssyncset.done $0x0  }
0x47: {  	s15 =	simm.s32 @!p0 $0x6;
	[sflag:s21] =	ssyncadd.s32 $0xFFFFC000  }
0x48: {  	[hbm4b:s9+s3] =	stream.linear.scatter [tilespmem:s16], [sflag:$0x8], $0x4000, $0x38;
	[tilespmem:$0x15900] =	vst v63  }
0x49: {  	_ =	swait.ge @!p0 [sflag:s15], $0x4000  }
0x4a: {  	[sflag:s15] =	ssyncset.done @!p0 $0x0  }
0x4b: {  	[sflag:s15] =	ssyncadd.s32 @!p0 $0xFFFFC000;
	s15 =	sshra.s32 @!p0 s5, $0x2  }
0x4c: {  	s1 =	simm.s32 @!p0 $0x80;
	s10 =	simm.s32 @!p0 $0x1900;
	s0 =	sadd.s32 @!p0 $0x280, s15  }
0x4d: {  	[tilespmem:s10], [sflag:$0x1] =	stream.indirect.gather @!p0 [hbm4b:s2+s1], $0x80, s0, s1, $0xb8;
	[tilespmem:$0x15900] =	vst v63  }
0x4e: {  	_ =	swait.ge [sflag:s22], $0x4000  }
0x4f: {  	[sflag:s22] =	ssyncset.done $0x0  }
0x50: {  	s0 =	simm.s32 @!p0 $0x7;
	[sflag:s22] =	ssyncadd.s32 $0xFFFFC000  }
0x51: {  	[hbm4b:s8+s3] =	stream.linear.scatter [tilespmem:s18], [sflag:$0x9], $0x4000, $0x38;
	[tilespmem:$0x15900] =	vst v63  }
0x52: {  	_ =	swait.ge @!p0 [sflag:s0], $0x4000  }
0x53: {  	[sflag:s0] =	ssyncset.done @!p0 $0x0  }
0x54: {  	s10 =	simm.s32 @!p0 $0x5900;
	[sflag:s0] =	ssyncadd.s32 @!p0 $0xFFFFC000;
	s0 =	sadd.s32 @!p0 $0x300, s15  }
0x55: {  	[tilespmem:s10], [sflag:$0x2] =	stream.indirect.gather @!p0 [hbm4b:s2+s1], $0x80, s0, s1, $0xb8;
	[tilespmem:$0x15900] =	vst v63  }
.Ltmp2:
0x56: {  	_ = 	snop;
	(pc) =	sbr.rel @p0 .LBB2_4-.Ltmp2, $4  }
0x57: {  	_ =	swait.ge [sflag:s23], $0x4000  }
0x58: {  	[sflag:s23] =	ssyncset.done $0x0  }
0x59: {  	[sflag:s23] =	ssyncadd.s32 $0xFFFFC000  }
0x5a: {  	[hbm4b:s7+s3] =	stream.linear.scatter [tilespmem:s20], [sflag:$0xA], $0x4000, $0x38;
	[tilespmem:$0x15900] =	vst v63  }
.Ltmp3:
0x5b: {  	_ =	swait.ge [sflag:s26], $0x4000;
	(pc) =	sbr.rel .LBB2_2-.Ltmp3, $4  }
0x5c: {  	s0 =	sadd.s32 $0x380, s4;
	s5 =	sadd.s32 $0xA00, s5;
	s6 =	sadd.s32 $0x2800, s6  }
0x5d: {  	s7 =	sadd.s32 $0x2800, s7;
	s8 =	sadd.s32 $0x2800, s8;
	[sflag:s26] =	ssyncset.done $0x0  }
0x5e: {  	s9 =	sadd.s32 $0x2800, s9;
	s31 =	sadd.s32 $0x2800, s31;
	[sflag:s26] =	ssyncadd.s32 $0xFFFFC000  }
0x5f: {  	[tilespmem:s16], [sflag:$0x3] =	stream.indirect.gather [hbm4b:s2+s12], $0x80, s0, s12, $0xb8;
	[tilespmem:$0x15900] =	vst v63  }
.LBB2_5:
0x60: {  	_ =	sfence.sel $0x180000  }
0x61: {  	[bflag:$0x0] =	sbarrier.arrive $0xFFFF  }
0x62: {  	_ =	strace $0x90000047  }
0x63: {  	s0 =	stileid.u32;
	[bflag:$0x2] =	sbarrier.arrive $0xFFFF  }
0x64: {  	p0 =	sne.s32 s0, $0x0;
	s0 =	rddreg [dreg:$0x3]  }
0x65: {  	s0 =	sadd.s32 @!p0 $0x100000, s0  }
0x66: {  	[sflag:s0] =	ssyncadd.tile.s32 @!p0 $0x1;
	_ =	shalt  }
.Lfunc_end2:
_tile_overlayer_lowered:
.L_overlay_start_2:
0x67: {  	(tag) =	ssettag $0x2  }
0x68: {  	s0 =	rddreg [dreg:$0x0];
	s2 =	stileid.u32  }
0x69: {  	s1 =	rddreg [dreg:$0x1];
	p0 =	sne.s32 s2, $0x0  }
0x6a: {  	s3 =	rddreg [dreg:$0x2];
	[bflag:$0x3] =	sbarrier.arrive $0xFFFF;
	s2 =	simm.s32 @!p0 $0x1C0B  }
0x6b: {  	[timem:s3], [sflag:s2] =	dma.local @!p0 [hbm:s0], s1  }
0x6c: {  	s0 =	simm.s32 @!p0 $0xB  }
0x6d: {  	_ =	swait.ge @!p0 [sflag:s0], s1  }
0x6e: {  	s1 =	ssub.s32 @!p0 $0x0, s1;
	[sflag:s0] =	ssyncset.done @!p0 $0x0  }
0x6f: {  	[sflag:s0] =	ssyncadd.s32 @!p0 s1  }
0x70: {  	[bflag:$0x3] =	sbarrier.arrive $0xFFFF  }
0x71: {  	_ =	shalt  }

</sc_bundles>
